<compile_context>
chip_gen: v7x
topology: tpu7x:2x2x1
jax: 0.10.2.dev20260603
libtpu: 0.0.44.dev20260713+nightly
codegen_flags: <defaults>
</compile_context>

<pallas_src>
import functools

import jax
import jax.numpy as jnp
from jax import lax
from jax.experimental import pallas as pl
from jax.experimental.pallas import tpu as pltpu
from jax.experimental.pallas import tpu_sc as plsc

NUM_T = 1000
BATCH = 16384
L = 16
NC = 2
NS = 16
B_PER_W = BATCH // NS
CHUNKS = B_PER_W // L


def _ddpm_lookup(t, beta, alpha):
    mesh = plsc.VectorSubcoreMesh(core_axis_name="c", subcore_axis_name="s")

    @functools.partial(
        pl.kernel,
        mesh=mesh,
        out_type=(
            jax.ShapeDtypeStruct((BATCH,), jnp.float32),
            jax.ShapeDtypeStruct((BATCH,), jnp.float32),
        ),
        scratch_types=[
            pltpu.VMEM((NUM_T,), jnp.float32),
            pltpu.VMEM((B_PER_W,), jnp.int32),
            pltpu.VMEM((B_PER_W,), jnp.float32),
            pltpu.SemaphoreType.DMA,
            pltpu.SemaphoreType.DMA,
        ],
        compiler_params=pltpu.CompilerParams(needs_layout_passes=False),
    )
    def k(t_hbm, beta_hbm, alpha_hbm, beta_out, alpha_out,
          tab_v, idx_v, o_v, in_sem, out_sem):
        cid = lax.axis_index("c")
        base = lax.axis_index("s") * B_PER_W

        def run(table_hbm, out_hbm):
            c1 = pltpu.async_copy(table_hbm, tab_v, in_sem)
            c2 = pltpu.async_copy(t_hbm.at[pl.ds(base, B_PER_W)], idx_v, in_sem)
            c1.wait()
            c2.wait()

            @plsc.parallel_loop(0, B_PER_W, step=L, unroll=4)
            def body(off):
                idx = idx_v[pl.ds(off, L)]
                o_v[pl.ds(off, L)] = plsc.load_gather(tab_v, [idx])

            pltpu.async_copy(o_v, out_hbm.at[pl.ds(base, B_PER_W)], out_sem).wait()

        @pl.when(cid == 0)
        def _():
            run(beta_hbm, beta_out)

        @pl.when(cid == 1)
        def _():
            run(alpha_hbm, alpha_out)

    return k(t, beta, alpha)


def kernel(t, beta, alpha):
    beta_t, alpha_t = _ddpm_lookup(t, beta, alpha)
    return (beta_t, alpha_t)

# --- scband reference (transcript-rebuilt; emitter-appended) ---
"""Pipeline reference for scband-ddpm-scheduler-80315888435527 (READ-ONLY COPY).

The authoritative reference and input builder live on the scoring server;
editing this copy changes nothing except your own understanding.
"""

import jax, jax.numpy as jnp
import numpy as np

NUM_TIME_STEPS = 1000
BATCH = 16384


def setup_inputs(seed: int = 0) -> dict:
    key = jax.random.key(seed)
    t = jax.random.randint(key, (BATCH,), 0, NUM_TIME_STEPS, dtype=jnp.int64 if jax.config.jax_enable_x64 else jnp.int32)
    # Buffers defined in __init__ of DDPM_Scheduler
    beta = jnp.linspace(0.0001, 0.02, NUM_TIME_STEPS, dtype=jnp.float32)
    alpha = jnp.cumprod(1.0 - beta, axis=0)
    return {"t": t, "beta": beta, "alpha": alpha}


def reference(t, beta, alpha):
    # forward: return (self.beta[t], self.alpha[t])
    beta_t = jnp.take(beta, t, axis=0)
    alpha_t = jnp.take(alpha, t, axis=0)
    return (beta_t, alpha_t)

if __name__ == "__main__":
    import jax
    _d = setup_inputs()
    print(jax.jit(kernel)(*tuple(_d.values())))

</pallas_src>

<mosaic_0001>
#map = affine_map<(d0, d1) -> (0)>
module attributes {stable_mosaic.version = 14 : i64} {
  func.func @k(%arg0: i32, %arg1: i32, %arg2: memref<16384xi32, #tpu.memory_space<hbm>>, %arg3: memref<1000xf32, #tpu.memory_space<hbm>>, %arg4: memref<1000xf32, #tpu.memory_space<hbm>>, %arg5: memref<16384xf32, #tpu.memory_space<hbm>>, %arg6: memref<16384xf32, #tpu.memory_space<hbm>>, %arg7: memref<1000xf32, #tpu.memory_space<vmem>>, %arg8: memref<1024xi32, #tpu.memory_space<vmem>>, %arg9: memref<1024xf32, #tpu.memory_space<vmem>>, %arg10: memref<!tpu.dma_semaphore, #tpu.memory_space<semaphore_mem>>, %arg11: memref<!tpu.dma_semaphore, #tpu.memory_space<semaphore_mem>>) attributes {dimension_semantics = [#tpu.dimension_semantics<core_parallel>, #tpu.dimension_semantics<subcore_parallel>], iteration_bounds = array<i64: 2, 16>, scalar_prefetch = 0 : i64, scratch_operands = 5 : i64, tpu.core_type = #tpu.core_type<sc_vector_subcore>, window_params = [{transform_indices = #map}, {transform_indices = #map}, {transform_indices = #map}, {transform_indices = #map}, {transform_indices = #map}]} {
    %mul3A = arith.constant 1024 : i32
    %mul3A_0 = arith.muli %arg1, %mul3A : i32
    %eq3A = arith.constant 0 : i32
    %eq3A_1 = arith.cmpi eq, %arg0, %eq3A : i32
    %convert_element_type3A = arith.extui %eq3A_1 : i1 to i32
    %cond3A = arith.constant 0 : i32
    %cond3A_2 = arith.cmpi ne, %convert_element_type3A, %cond3A : i32
    scf.if %cond3A_2 {
      tpu.enqueue_dma source(%arg3 : memref<1000xf32, #tpu.memory_space<hbm>>) target(%arg7 : memref<1000xf32, #tpu.memory_space<vmem>>) target_semaphore(%arg10 : memref<!tpu.dma_semaphore, #tpu.memory_space<semaphore_mem>>)
      %dma_start3A = tpu.memref_slice %arg2[%mul3A_0] : memref<16384xi32, #tpu.memory_space<hbm>> -> memref<1024xi32, #tpu.memory_space<hbm>>
      %dma_start3A_8 = tpu.memref_slice %arg2[%mul3A_0] : memref<16384xi32, #tpu.memory_space<hbm>> -> memref<1024xi32, #tpu.memory_space<hbm>>
      tpu.enqueue_dma source(%dma_start3A_8 : memref<1024xi32, #tpu.memory_space<hbm>>) target(%arg8 : memref<1024xi32, #tpu.memory_space<vmem>>) target_semaphore(%arg10 : memref<!tpu.dma_semaphore, #tpu.memory_space<semaphore_mem>>)
      tpu.wait_dma2 semaphore(%arg10 : memref<!tpu.dma_semaphore, #tpu.memory_space<semaphore_mem>>) src(%arg3 : memref<1000xf32, #tpu.memory_space<hbm>>) dst(%arg7 : memref<1000xf32, #tpu.memory_space<vmem>>)
      %dma_wait3A = tpu.memref_slice %arg2[%mul3A_0] : memref<16384xi32, #tpu.memory_space<hbm>> -> memref<1024xi32, #tpu.memory_space<hbm>>
      %dma_wait3A_9 = tpu.memref_slice %arg2[%mul3A_0] : memref<16384xi32, #tpu.memory_space<hbm>> -> memref<1024xi32, #tpu.memory_space<hbm>>
      tpu.wait_dma2 semaphore(%arg10 : memref<!tpu.dma_semaphore, #tpu.memory_space<semaphore_mem>>) src(%dma_wait3A_9 : memref<1024xi32, #tpu.memory_space<hbm>>) dst(%arg8 : memref<1024xi32, #tpu.memory_space<vmem>>)
      %parallel_loop3A = arith.constant 0 : i32
      %parallel_loop3A_10 = arith.constant 1024 : i32
      %parallel_loop3A_11 = arith.constant 16 : i32
      scf.for %parallel_loop3A_16 = %parallel_loop3A to %parallel_loop3A_10 step %parallel_loop3A_11  : i32 {
        %parallel_loop3A_17 = arith.index_cast %parallel_loop3A_16 : i32 to index
        %parallel_loop3A_18 = tpu.vector_load %arg8[%parallel_loop3A_17] {strides = array<i32>} : memref<1024xi32, #tpu.memory_space<vmem>>, vector<16xi32>,
        %parallel_loop3A_19 = tpu.vector_load_idx %arg7[%parallel_loop3A_18] : memref<1000xf32, #tpu.memory_space<vmem>>[vector<16xi32>], vector<16xf32>,
        %parallel_loop3A_20 = arith.index_cast %parallel_loop3A_16 : i32 to index
        %parallel_loop3A_21 = tpu.vector_load %arg9[%parallel_loop3A_20] {strides = array<i32>} : memref<1024xf32, #tpu.memory_space<vmem>>, vector<16xf32>,
        tpu.vector_store %arg9[%parallel_loop3A_20], %parallel_loop3A_19 {strides = array<i32>} : memref<1024xf32, #tpu.memory_space<vmem>>, vector<16xf32>,
      } {sc.loop_unroll_factor = 4 : i64, sc.parallel_access}
      %dma_start3A_12 = tpu.memref_slice %arg5[%mul3A_0] : memref<16384xf32, #tpu.memory_space<hbm>> -> memref<1024xf32, #tpu.memory_space<hbm>>
      %dma_start3A_13 = tpu.memref_slice %arg5[%mul3A_0] : memref<16384xf32, #tpu.memory_space<hbm>> -> memref<1024xf32, #tpu.memory_space<hbm>>
      tpu.enqueue_dma source(%arg9 : memref<1024xf32, #tpu.memory_space<vmem>>) target(%dma_start3A_13 : memref<1024xf32, #tpu.memory_space<hbm>>) target_semaphore(%arg11 : memref<!tpu.dma_semaphore, #tpu.memory_space<semaphore_mem>>)
      %dma_wait3A_14 = tpu.memref_slice %arg5[%mul3A_0] : memref<16384xf32, #tpu.memory_space<hbm>> -> memref<1024xf32, #tpu.memory_space<hbm>>
      %dma_wait3A_15 = tpu.memref_slice %arg5[%mul3A_0] : memref<16384xf32, #tpu.memory_space<hbm>> -> memref<1024xf32, #tpu.memory_space<hbm>>
      tpu.wait_dma2 semaphore(%arg11 : memref<!tpu.dma_semaphore, #tpu.memory_space<semaphore_mem>>) src(%arg9 : memref<1024xf32, #tpu.memory_space<vmem>>) dst(%dma_wait3A_15 : memref<1024xf32, #tpu.memory_space<hbm>>)
    } else {
    }
    %eq3A_3 = arith.constant 1 : i32
    %eq3A_4 = arith.cmpi eq, %arg0, %eq3A_3 : i32
    %convert_element_type3A_5 = arith.extui %eq3A_4 : i1 to i32
    %cond3A_6 = arith.constant 0 : i32
    %cond3A_7 = arith.cmpi ne, %convert_element_type3A_5, %cond3A_6 : i32
    scf.if %cond3A_7 {
      tpu.enqueue_dma source(%arg4 : memref<1000xf32, #tpu.memory_space<hbm>>) target(%arg7 : memref<1000xf32, #tpu.memory_space<vmem>>) target_semaphore(%arg10 : memref<!tpu.dma_semaphore, #tpu.memory_space<semaphore_mem>>)
      %dma_start3A = tpu.memref_slice %arg2[%mul3A_0] : memref<16384xi32, #tpu.memory_space<hbm>> -> memref<1024xi32, #tpu.memory_space<hbm>>
      %dma_start3A_8 = tpu.memref_slice %arg2[%mul3A_0] : memref<16384xi32, #tpu.memory_space<hbm>> -> memref<1024xi32, #tpu.memory_space<hbm>>
      tpu.enqueue_dma source(%dma_start3A_8 : memref<1024xi32, #tpu.memory_space<hbm>>) target(%arg8 : memref<1024xi32, #tpu.memory_space<vmem>>) target_semaphore(%arg10 : memref<!tpu.dma_semaphore, #tpu.memory_space<semaphore_mem>>)
      tpu.wait_dma2 semaphore(%arg10 : memref<!tpu.dma_semaphore, #tpu.memory_space<semaphore_mem>>) src(%arg4 : memref<1000xf32, #tpu.memory_space<hbm>>) dst(%arg7 : memref<1000xf32, #tpu.memory_space<vmem>>)
      %dma_wait3A = tpu.memref_slice %arg2[%mul3A_0] : memref<16384xi32, #tpu.memory_space<hbm>> -> memref<1024xi32, #tpu.memory_space<hbm>>
      %dma_wait3A_9 = tpu.memref_slice %arg2[%mul3A_0] : memref<16384xi32, #tpu.memory_space<hbm>> -> memref<1024xi32, #tpu.memory_space<hbm>>
      tpu.wait_dma2 semaphore(%arg10 : memref<!tpu.dma_semaphore, #tpu.memory_space<semaphore_mem>>) src(%dma_wait3A_9 : memref<1024xi32, #tpu.memory_space<hbm>>) dst(%arg8 : memref<1024xi32, #tpu.memory_space<vmem>>)
      %parallel_loop3A = arith.constant 0 : i32
      %parallel_loop3A_10 = arith.constant 1024 : i32
      %parallel_loop3A_11 = arith.constant 16 : i32
      scf.for %parallel_loop3A_16 = %parallel_loop3A to %parallel_loop3A_10 step %parallel_loop3A_11  : i32 {
        %parallel_loop3A_17 = arith.index_cast %parallel_loop3A_16 : i32 to index
        %parallel_loop3A_18 = tpu.vector_load %arg8[%parallel_loop3A_17] {strides = array<i32>} : memref<1024xi32, #tpu.memory_space<vmem>>, vector<16xi32>,
        %parallel_loop3A_19 = tpu.vector_load_idx %arg7[%parallel_loop3A_18] : memref<1000xf32, #tpu.memory_space<vmem>>[vector<16xi32>], vector<16xf32>,
        %parallel_loop3A_20 = arith.index_cast %parallel_loop3A_16 : i32 to index
        %parallel_loop3A_21 = tpu.vector_load %arg9[%parallel_loop3A_20] {strides = array<i32>} : memref<1024xf32, #tpu.memory_space<vmem>>, vector<16xf32>,
        tpu.vector_store %arg9[%parallel_loop3A_20], %parallel_loop3A_19 {strides = array<i32>} : memref<1024xf32, #tpu.memory_space<vmem>>, vector<16xf32>,
      } {sc.loop_unroll_factor = 4 : i64, sc.parallel_access}
      %dma_start3A_12 = tpu.memref_slice %arg6[%mul3A_0] : memref<16384xf32, #tpu.memory_space<hbm>> -> memref<1024xf32, #tpu.memory_space<hbm>>
      %dma_start3A_13 = tpu.memref_slice %arg6[%mul3A_0] : memref<16384xf32, #tpu.memory_space<hbm>> -> memref<1024xf32, #tpu.memory_space<hbm>>
      tpu.enqueue_dma source(%arg9 : memref<1024xf32, #tpu.memory_space<vmem>>) target(%dma_start3A_13 : memref<1024xf32, #tpu.memory_space<hbm>>) target_semaphore(%arg11 : memref<!tpu.dma_semaphore, #tpu.memory_space<semaphore_mem>>)
      %dma_wait3A_14 = tpu.memref_slice %arg6[%mul3A_0] : memref<16384xf32, #tpu.memory_space<hbm>> -> memref<1024xf32, #tpu.memory_space<hbm>>
      %dma_wait3A_15 = tpu.memref_slice %arg6[%mul3A_0] : memref<16384xf32, #tpu.memory_space<hbm>> -> memref<1024xf32, #tpu.memory_space<hbm>>
      tpu.wait_dma2 semaphore(%arg11 : memref<!tpu.dma_semaphore, #tpu.memory_space<semaphore_mem>>) src(%arg9 : memref<1024xf32, #tpu.memory_space<vmem>>) dst(%dma_wait3A_15 : memref<1024xf32, #tpu.memory_space<hbm>>)
    } else {
    }
    return
  }
}

</mosaic_0001>

<sc_bundles>
// kernel: kernel.3.cloned.1.call-start
scs
__scs_entry_jumppad:
0x0: {  	(pc) =	sbr.rel $0x88, $3  }
0x1: {  	(tag) =	ssettag $0x0;
	lr =	simm.s32 $0x1  }
0x2: {  	[smem:$0x3F9E] =	sst lr;
	_ =	strace $0xD0000000  }
0x3: {  	_ = 	snop  }
0x4: {  	_ = 	snop  }
0x5: {  	_ = 	snop  }
0x6: {  	_ = 	snop  }
0x7: {  	_ = 	snop  }
__scs_overlays_trampoline_lowered:
0x8: {  	[smem:$0x3FAD] =	sst s0  }
0x9: {  	[smem:$0x3FAE] =	sst s1  }
0xa: {  	[smem:$0x3FAF] =	sst s2  }
0xb: {  	[smem:$0x3FB0] =	sst s3  }
0xc: {  	[smem:$0x3FB1] =	sst s4  }
0xd: {  	[smem:$0x3FB2] =	sst s5  }
0xe: {  	[smem:$0x3FB3] =	sst s6  }
0xf: {  	[smem:$0x3FB4] =	sst s7  }
0x10: {  	[smem:$0x3FB5] =	sst s8  }
0x11: {  	[smem:$0x3FB6] =	sst s9;
	s0 =	simm.s32 @!p0 $0x0  }
0x12: {  	s1 =	sld [smem:$0x3F9C];
	s0 =	simm.s32 @p0 $0x1  }
0x13: {  	[smem:$0x3FB7] =	sst s0;
	s0 =	simm.s32 @!p1 $0x0  }
0x14: {  	s2 =	sld [smem:$0x3F9B];
	s0 =	simm.s32 @p1 $0x1  }
0x15: {  	[smem:$0x3FB8] =	sst s0;
	s0 =	simm.s32 @!p2 $0x0  }
0x16: {  	s3 =	sld [smem:$0x3FDB];
	s0 =	simm.s32 @p2 $0x1  }
0x17: {  	s4 =	simm.s32 $0x1BF5;
	[smem:$0x3FBA] =	sst s0  }
0x18: {  	s0 =	sld [smem:$0x3F9D];
	_ =	swait.ge [sflag:s4], $0x0  }
0x19: {  	s7 =	sld [smem:$0x3F9E]  }
0x1a: {  	s8 =	sadd.s32 $0xFFFFE003, lr  }
0x1b: {  	s9 =	sadd.s32 $0xFFFFFEF7, lr;
	s5 =	simm.s32 $0xFFFFFFFF;
	p2 =	slt.u32 s8, $0xFFFFF086  }
0x1c: {  	p1 =	slt.u32 s9, $0xF7A;
	s5 =	simm.s32 @!p2 $0x0  }
0x1d: {  	s5 =	simm.s32 @p1 $0x1;
	p0 =	seq.s32 s7, s2  }
0x1e: {  	s7 =	smul.u32 @!p0 $0xF7A, s2;
	p2 =	seq.s32 @!p0 s5, $0x0  }
0x1f: {  	s9 =	smul.u32 $0xF7A, s1;
	s8 =	simm.s32 @!p0 $0x1BF5;
	p2 =	por !p2, p0  }
0x20: {  	[sflag:s8] =	ssyncset.s32 @!p0 $0xFFFFF086;
	s6 =	sadd.s32 @!p0 s3, s7;
	s7 =	simm.s32 @!p0 $0x108  }
0x21: {  	s3 =	sadd.s32 s3, s9;
	s6 =	sadd.s32 @!p0 $0x88, s6;
	s7 =	simm.s32 @p2 $0x1082  }
0x22: {  	[simem:s7], [sflag:s8] =	dma.local @!p0 [hbm:s6], $0xF7A  }
0x23: {  	s9 =	sor.u32 $0xD0000000, s2;
	s6 =	simm.s32 $0x108;
	_ =	swait.ge @!p0 [sflag:s8], $0x0  }
0x24: {  	s3 =	sadd.s32 $0x88, s3;
	s6 =	simm.s32 @!p1 $0x1082;
	[sflag:s4] =	ssyncset.s32 $0xFFFFF086  }
0x25: {  	[simem:s6], [sflag:s4] =	dma.local [hbm:s3], $0xF7A  }
0x26: {  	[smem:$0x3F9E] =	sst s1;
	(tag) =	ssettag s2;
	_ =	strace s9  }
0x27: {  	s1 =	sld [smem:$0x3FAE]  }
0x28: {  	s2 =	sld [smem:$0x3FAF]  }
0x29: {  	s4 =	sld [smem:$0x3FB1]  }
0x2a: {  	p0 =	seq.s32 s5, $0x0;
	s5 =	sld [smem:$0x3FB2]  }
0x2b: {  	s6 =	sld [smem:$0x3FB3]  }
0x2c: {  	s7 =	sld [smem:$0x3FB4]  }
0x2d: {  	s3 =	simm.s32 $0x108;
	s8 =	sld [smem:$0x3FB5]  }
0x2e: {  	s3 =	simm.s32 @!p0 $0x1082;
	s9 =	sld [smem:$0x3FB6]  }
0x2f: {  	lr =	sadd.s32 s0, s3;
	s0 =	sld [smem:$0x3FAD]  }
0x30: {  	s3 =	sld [smem:$0x3FB0]  }
0x31: {  	[smem:$0x3FB9] =	sst s10  }
0x32: {  	s10 =	sld [smem:$0x3FB7];
	_ =	sdelay $0x3  }
0x33: {  	p0 =	seq.s32 s10, $0x1;
	s10 =	sld [smem:$0x3FB9];
	_ =	sdelay $0x3  }
0x34: {  	[smem:$0x3FB9] =	sst s10  }
0x35: {  	s10 =	sld [smem:$0x3FB8];
	_ =	sdelay $0x3  }
0x36: {  	p1 =	seq.s32 s10, $0x1;
	s10 =	sld [smem:$0x3FB9];
	_ =	sdelay $0x3  }
0x37: {  	[smem:$0x3FB9] =	sst s10  }
0x38: {  	s10 =	sld [smem:$0x3FBA]  }
0x39: {  	_ = 	snop;
	(pc) =	sbr.ind lr, $3  }
0x3a: {  	_ = 	snop  }
0x3b: {  	_ = 	snop  }
0x3c: {  	p2 =	seq.s32 s10, $0x1;
	s10 =	sld [smem:$0x3FB9]  }
0x3d: {  	_ =	shalt  }
0x3e: {  	_ =	shalt  }
0x3f: {  	_ =	shalt  }
0x40: {  	_ =	shalt  }
0x41: {  	_ =	shalt  }
0x42: {  	_ =	shalt  }
0x43: {  	_ =	shalt  }
0x44: {  	_ =	shalt  }
0x45: {  	_ =	shalt  }
0x46: {  	_ =	shalt  }
0x47: {  	_ =	shalt  }
0x48: {  	_ =	shalt  }
0x49: {  	_ =	shalt  }
0x4a: {  	_ =	shalt  }
0x4b: {  	_ =	shalt  }
0x4c: {  	_ =	shalt  }
0x4d: {  	_ =	shalt  }
0x4e: {  	_ =	shalt  }
0x4f: {  	_ =	shalt  }
0x50: {  	_ =	shalt  }
0x51: {  	_ =	shalt  }
0x52: {  	_ =	shalt  }
0x53: {  	_ =	shalt  }
0x54: {  	_ =	shalt  }
0x55: {  	_ =	shalt  }
0x56: {  	_ =	shalt  }
0x57: {  	_ =	shalt  }
0x58: {  	_ =	shalt  }
0x59: {  	_ =	shalt  }
0x5a: {  	_ =	shalt  }
0x5b: {  	_ =	shalt  }
0x5c: {  	_ =	shalt  }
0x5d: {  	_ =	shalt  }
0x5e: {  	_ =	shalt  }
0x5f: {  	_ =	shalt  }
0x60: {  	_ =	shalt  }
0x61: {  	_ =	shalt  }
0x62: {  	_ =	shalt  }
0x63: {  	_ =	shalt  }
0x64: {  	_ =	shalt  }
0x65: {  	_ =	shalt  }
0x66: {  	_ =	shalt  }
0x67: {  	_ =	shalt  }
0x68: {  	_ =	shalt  }
0x69: {  	_ =	shalt  }
0x6a: {  	_ =	shalt  }
0x6b: {  	_ =	shalt  }
0x6c: {  	_ =	shalt  }
0x6d: {  	_ =	shalt  }
0x6e: {  	_ =	shalt  }
0x6f: {  	_ =	shalt  }
0x70: {  	_ =	shalt  }
0x71: {  	_ =	shalt  }
0x72: {  	_ =	shalt  }
0x73: {  	_ =	shalt  }
0x74: {  	_ =	shalt  }
0x75: {  	_ =	shalt  }
0x76: {  	_ =	shalt  }
0x77: {  	_ =	shalt  }
0x78: {  	_ =	shalt  }
0x79: {  	_ =	shalt  }
0x7a: {  	_ =	shalt  }
0x7b: {  	_ =	shalt  }
0x7c: {  	_ =	shalt  }
0x7d: {  	_ =	shalt  }
0x7e: {  	_ =	shalt  }
0x7f: {  	_ =	shalt  }
0x80: {  	_ =	shalt  }
0x81: {  	_ =	shalt  }
0x82: {  	_ =	shalt  }
0x83: {  	_ =	shalt  }
0x84: {  	_ =	shalt  }
0x85: {  	_ =	shalt  }
0x86: {  	_ =	shalt  }
0x87: {  	_ =	shalt  }
.Lfunc_end0:
.L_simem_size_0:
called_computation_lowered:
.L_overlay_start_0:
0x88: {  	s2 =	sld [smem:$0x3FD9]  }
0x89: {  	s3 =	sld [smem:$0x3FFE];
	_ =	sdelay $0x1  }
0x8a: {  	s1 =	srdreg.scid  }
0x8b: {  	s0 =	sand.u32 $0x1, s1  }
0x8c: {  	s15 =	sshll.u32 s0, $0xA;
	s2 =	sadd.s32 s3, s2  }
0x8d: {  	s2 =	sadd.s32 s2, s15  }
0x8e: {  	[smem:$0x3FC5] =	sst s2  }
0x8f: {  	_ = 	snop  }
0x90: {  	s2 =	sld [smem:$0x3FD0]  }
0x91: {  	s16 =	sld [smem:$0x3FC9]  }
0x92: {  	s4 =	sld [smem:$0x3FC8]  }
0x93: {  	s6 =	simm.s32 $0xA;
	s7 =	simm.s32 $0x10;
	s5 =	sld [smem:$0x3FC7]  }
0x94: {  	[smem:s7], [sflag:s6] =	dma.local [hbm:s2], $0x1  }
0x95: {  	_ =	swait.eq [sflag:s6], $0x1  }
0x96: {  	[sflag:s6] =	ssyncset.done $0x0  }
0x97: {  	s17 =	sld [smem:$0x10];
	[sflag:s6] =	ssyncadd.s32 $0xFFFFFFFF  }
0x98: {  	s18 =	sld [smem:$0x11];
	(tm) =	ssettm $0x1  }
0x99: {  	s19 =	sld [smem:$0x3FFB];
	_ =	sdelay $0x3  }
0x9a: {  	_ =	strace s19  }
0x9b: {  	s7 =	sld [smem:$0x3FFC];
	_ =	sdelay $0x3  }
0x9c: {  	_ =	strace s7  }
0x9d: {  	s7 =	sld [smem:$0x3FFD];
	_ =	sdelay $0x3  }
0x9e: {  	_ =	strace s7  }
0x9f: {  	_ =	strace $0x8FFFFFFF  }
0xa0: {  	s20 =	sld [smem:$0x3FDB];
	_ =	sdelay $0x1  }
0xa1: {  	s8 =	simm.s32 $_scs_section_size  }
0xa2: {  	s9 =	simm.s32 $_size__tile_overlayer_lowered;
	s10 =	simm.s32 $_tile_overlayer_lowered  }
0xa3: {  	s23 =	simm.s32 $0x1BFF;
	s22 =	sshll.u32 s10, $0x1;
	s7 =	sadd.s32 s8, s20  }
0xa4: {  	s11 =	simm.s32 $0x0;
	s21 =	sshll.u32 s9, $0x1;
	s9 =	sadd.s32 s22, s7  }
0xa5: {  	[timem:s11], [sflag:s23] =	dma.local [hbm:s9], s21  }
0xa6: {  	_ =	swait.ge [sflag:s23], s21  }
0xa7: {  	s8 =	ssub.s32 $0x0, s21;
	[sflag:s23] =	ssyncset.done $0x0  }
0xa8: {  	[sflag:s23] =	ssyncadd.s32 s8;
	_ =	sdelay $0x1  }
0xa9: {  	s24 =	simm.s32 $0x1B8B  }
0xaa: {  	_ =	swait.ge [sflag:s24], $0x1  }
0xab: {  	[sflag:s24] =	ssyncset.done $0x0  }
0xac: {  	s25 =	simm.s32 $0x1B8E;
	[sflag:s24] =	ssyncadd.s32 $0xFFFFFFFF  }
0xad: {  	s26 =	simm.s32 $execute0_lowered;
	[smem:$0x3FD2] =	sst s25  }
0xae: {  	s8 =	sshll.u32 s26, $0x1;
	_ =	strace $0x80000046;
	[dreg:$0x1] =	wrdreg $0xFFFFFFFF  }
0xaf: {  	s28 =	simm.s32 $_size_execute0_lowered;
	s7 =	sadd.s32 s7, s8;
	[dreg:$0x0] =	wrdreg $0x0  }
0xb0: {  	s8 =	sshll.u32 s28, $0x1;
	[dreg:$0x2] =	wrdreg s7  }
0xb1: {  	[dreg:$0x3] =	wrdreg s8  }
0xb2: {  	[dreg:$0x4] =	wrdreg $0xC0  }
0xb3: {  	_ =	task [dreg:s11], $0x5FFFF  }
0xb4: {  	[dreg:$0x1] =	wrdreg $0xFFFFFFFF  }
0xb5: {  	[dreg:$0x0] =	wrdreg $0x60  }
0xb6: {  	[dreg:$0x2] =	wrdreg s16  }
0xb7: {  	[dreg:$0x3] =	wrdreg s4  }
0xb8: {  	[dreg:$0x4] =	wrdreg s5  }
0xb9: {  	[dreg:$0x5] =	wrdreg s17  }
0xba: {  	[dreg:$0x6] =	wrdreg s18  }
0xbb: {  	[dreg:$0x7] =	wrdreg $0x9  }
0xbc: {  	_ =	task.clear_ibuf [dreg:s11], $0x8FFFF;
	_ =	strace $0x90000046  }
0xbd: {  	s29 =	simm.s32 $0x9;
	_ =	strace $0x80000048  }
0xbe: {  	_ =	swait.ge [sflag:s29], $0x1  }
0xbf: {  	[sflag:s29] =	ssyncadd.s32 $0xFFFFFFFF  }
0xc0: {  	_ =	strace $0x90000048  }
0xc1: {  	_ =	sfence  }
0xc2: {  	s30 =	sld [smem:$0x0];
	_ =	sdelay $0x2  }
0xc3: {  	s31 =	sshll.u32 s1, $0xD;
	s1 =	sshrl.u32 s1, $0x2  }
0xc4: {  	s3 =	sand.u32 $0x4000, s31;
	s1 =	sadd.s32 s1, s30  }
0xc5: {  	s0 =	sor.u32 s3, s0;
	s1 =	sshll.u32 s1, $0x11  }
0xc6: {  	s0 =	sor.u32 s1, s0  }
0xc7: {  	s0 =	sadd.s32 $0x8F2B, s0  }
0xc8: {  	[sflag:s0] =	ssyncadd.remote.s32 $0x1  }
0xc9: {  	_ =	sfence.sel $0xFFFF  }
0xca: {  	[dreg:$0x0] =	wrdreg $0xFFFFFFFF;
	(pc) =	sbr.abs _section_cstart, $3  }
0xcb: {  	[dreg:$0x1] =	wrdreg $0xFFFFFFFF  }
0xcc: {  	_ =	task.clear_ibuf [dreg:s11], $0x2FFFF;
	_ =	strace $0x9FFFFFFF  }
0xcd: {  	(tm) =	ssettm $0x7FFFFFFF  }
tec
execute0_lowered:
.L_overlay_start_1:
0x0: {  	(tag) =	ssettag $0x1  }
0x1: {  	s8 =	rddreg [dreg:$0x0]  }
0x2: {  	s1 =	rddreg [dreg:$0x1]  }
0x3: {  	s2 =	rddreg [dreg:$0x2]  }
0x4: {  	s3 =	rddreg [dreg:$0x3]  }
0x5: {  	s4 =	rddreg [dreg:$0x4]  }
0x6: {  	s5 =	srdreg.scid;
	s0 =	rddreg [dreg:$0x5]  }
0x7: {  	s6 =	simm.s32 $0x0;
	s12 =	simm.s32 $0x800;
	s13 =	simm.s32 $0x2  }
.Ltmp0:
0x8: {  	s14 =	simm.s32 $0x0;
	s9 =	sand.u32 $0x1, s5;
	(pc) =	sbr.rel .LBB2_1-.Ltmp0, $4  }
0x9: {  	[smem:$0x7FF] =	sst s6;
	s5 =	stileid.u32;
	s10 =	ssub.s32 $0x2, s9  }
0xa: {  	_ =	strace $0x80000047;
	s7 =	sshll.u32 s5, $0x7;
	s11 =	sshrl.u32 s10, $0x1  }
0xb: {  	p0 =	seq.s32 s9, $0x1;
	s8 =	sadd.s32 s8, s7;
	s10 =	ssub.s32 s10, s11  }
0xc: {  	s11 =	simm.s32 $0x1;
	s9 =	smax.u32 s10, $0x1;
	s10 =	simm.s32 $0x400  }
.LBB2_7:
0xd: {  	_ =	sdelay $0x3  }
0xe: {  	v6 =	vld.idx.msk [tilespmem:v6+s6+$0x0], $0xffff  }
0xf: {  	[tilespmem:s15+$0xFFFFFFE0] =	vst v5;
	v1 =	vld.idx.msk [tilespmem:v1+s6+$0x0], $0xffff  }
0x10: {  	[tilespmem:s15+$0xFFFFFFF0] =	vst v2;
	v0 =	vld.idx.msk [tilespmem:v0+s6+$0x0], $0xffff  }
0x11: {  	[tilespmem:s15+$0x0] =	vst v3;
	s31 =	sadd.s32 $0x40, s15  }
0x12: {  	[tilespmem:s31+$0x10] =	vst v4  }
0x13: {  	[tilespmem:s31+$0xFFFFFFE0] =	vst v6  }
0x14: {  	[tilespmem:s31+$0xFFFFFFF0] =	vst v1  }
0x15: {  	s15 =	smov.u32 s4;
	[tilespmem:s31+$0x0] =	vst v0  }
.LBB2_8:
0x16: {  	s14 =	sadd.s32 $0x1, s14  }
0x17: {  	p1 =	sne.s32 s14, s9  }
.Ltmp1:
0x18: {  	s15 =	sadd.s32 s15, s7;
	(pc) =	sbr.rel @!p1 .LBB2_9-.Ltmp1, $4  }
0x19: {  	[hbm4b:s15+s6] =	stream.linear.scatter [tilespmem:s12], [sflag:$0x2], $0x400, $0x38;
	[tilespmem:$0xC00] =	vst v63  }
0x1a: {  	_ =	swait.ge [sflag:s13], $0x400  }
0x1b: {  	[sflag:s13] =	ssyncset.done $0x0  }
0x1c: {  	[sflag:s13] =	ssyncadd.s32 $0xFFFFFC00  }
.LBB2_1:
.Ltmp2:
0x1d: {  	(pc) =	sbr.rel @!p0 .LBB2_2-.Ltmp2, $1  }
0x1e: {  	_ =	sdelay $0x3  }
0x1f: {  	[tilespmem:s6], [sflag:$0x1] =	stream.linear.gather [hbm4b:s2+s6], $0x400, $0x38;
	[tilespmem:$0xC00] =	vst v63  }
0x20: {  	_ = 	snop  }
0x21: {  	[tilespmem:s10], [sflag:$0x1] =	stream.linear.gather [hbm4b:s8+s6], $0x400, $0x38;
	[tilespmem:$0xC00] =	vst v63  }
0x22: {  	_ =	swait.ge [sflag:s11], $0x400  }
0x23: {  	[sflag:s11] =	ssyncset.done $0x0  }
0x24: {  	[sflag:s11] =	ssyncadd.s32 $0xFFFFFC00  }
0x25: {  	_ =	swait.ge [sflag:s11], $0x400  }
0x26: {  	[sflag:s11] =	ssyncset.done $0x0  }
0x27: {  	s15 =	simm.s32 $0x420;
	[sflag:s11] =	ssyncadd.s32 $0xFFFFFC00  }
0x28: {  	v0 =	vld [tilespmem:s15+$0x10];
	_ =	sdelay $0x1  }
0x29: {  	v2 =	vld [tilespmem:s15+$0xFFFFFFE0]  }
0x2a: {  	v3 =	vld [tilespmem:s15+$0xFFFFFFF0]  }
0x2b: {  	s31 =	simm.s32 $0x460;
	v4 =	vld [tilespmem:s15+$0x0]  }
0x2c: {  	v7 =	vld [tilespmem:s31+$0x10]  }
0x2d: {  	v1 =	vld [tilespmem:s31+$0xFFFFFFF0]  }
0x2e: {  	v6 =	vld [tilespmem:s31+$0xFFFFFFE0]  }
0x2f: {  	v8 =	vld.idx.msk [tilespmem:v0+s6+$0x0], $0xffff  }
0x30: {  	v0 =	vld [tilespmem:s31+$0x0]  }
0x31: {  	v5 =	vld.idx.msk [tilespmem:v2+s6+$0x0], $0xffff  }
0x32: {  	v2 =	vld.idx.msk [tilespmem:v3+s6+$0x0], $0xffff  }
0x33: {  	s15 =	simm.s32 $0x820;
	v3 =	vld.idx.msk [tilespmem:v4+s6+$0x0], $0xffff  }
0x34: {  	s16 =	simm.s32 $0x40;
	s17 =	simm.s32 $0x4A0;
	v4 =	vld.idx.msk [tilespmem:v7+s6+$0x0], $0xffff;
	[tilespmem:s15+$0x10] =	vst v8  }
.LBB2_6:
0x35: {  	v7 =	vld [tilespmem:s17+$0x10];
	s16 =	sadd.s32 $0x40, s16  }
0x36: {  	v8 =	vld [tilespmem:s17+$0xFFFFFFF0];
	p1 =	slt.u32 s16, $0x3C0;
	[tilespmem:s15+$0xFFFFFFE0] =	vst v5  }
0x37: {  	v9 =	vld [tilespmem:s17+$0x0];
	[tilespmem:s15+$0xFFFFFFF0] =	vst v2  }
0x38: {  	v10 =	vld [tilespmem:s17+$0xFFFFFFE0];
	[tilespmem:s15+$0x0] =	vst v3  }
.Ltmp3:
0x39: {  	s15 =	sadd.s32 $0x40, s15;
	v5 =	vld.idx.msk [tilespmem:v6+s6+$0x0], $0xffff;
	(pc) =	sbr.rel @p1 .LBB2_6-.Ltmp3, $4  }
0x3a: {  	v2 =	vld.idx.msk [tilespmem:v1+s6+$0x0], $0xffff;
	[tilespmem:s15+$0x10] =	vst v4  }
0x3b: {  	v3 =	vld.idx.msk [tilespmem:v0+s6+$0x0], $0xffff;
	v1 =	vmov v8  }
0x3c: {  	v0 =	vmov v9  }
0x3d: {  	s17 =	sadd.s32 $0x40, s17;
	v4 =	vld.idx.msk [tilespmem:v7+s6+$0x0], $0xffff;
	v6 =	vmov v10  }
.Ltmp4:
0x3e: {  	_ = 	snop;
	(pc) =	sbr.rel .LBB2_7-.Ltmp4, $1  }
0x3f: {  	_ =	sdelay $0x3  }
.LBB2_2:
0x40: {  	[tilespmem:s6], [sflag:$0x1] =	stream.linear.gather [hbm4b:s1+s6], $0x400, $0x38;
	[tilespmem:$0xC00] =	vst v63  }
0x41: {  	_ = 	snop  }
0x42: {  	[tilespmem:s10], [sflag:$0x1] =	stream.linear.gather [hbm4b:s8+s6], $0x400, $0x38;
	[tilespmem:$0xC00] =	vst v63  }
0x43: {  	_ =	swait.ge [sflag:s11], $0x400  }
0x44: {  	[sflag:s11] =	ssyncset.done $0x0  }
0x45: {  	[sflag:s11] =	ssyncadd.s32 $0xFFFFFC00  }
0x46: {  	_ =	swait.ge [sflag:s11], $0x400  }
0x47: {  	[sflag:s11] =	ssyncset.done $0x0  }
0x48: {  	s15 =	simm.s32 $0x420;
	[sflag:s11] =	ssyncadd.s32 $0xFFFFFC00  }
0x49: {  	v0 =	vld [tilespmem:s15+$0x10];
	_ =	sdelay $0x1  }
0x4a: {  	v2 =	vld [tilespmem:s15+$0xFFFFFFE0]  }
0x4b: {  	v3 =	vld [tilespmem:s15+$0xFFFFFFF0]  }
0x4c: {  	s31 =	simm.s32 $0x460;
	v4 =	vld [tilespmem:s15+$0x0]  }
0x4d: {  	v7 =	vld [tilespmem:s31+$0x10]  }
0x4e: {  	v1 =	vld [tilespmem:s31+$0xFFFFFFF0]  }
0x4f: {  	v6 =	vld [tilespmem:s31+$0xFFFFFFE0]  }
0x50: {  	v8 =	vld.idx.msk [tilespmem:v0+s6+$0x0], $0xffff  }
0x51: {  	v0 =	vld [tilespmem:s31+$0x0]  }
0x52: {  	v5 =	vld.idx.msk [tilespmem:v2+s6+$0x0], $0xffff  }
0x53: {  	v2 =	vld.idx.msk [tilespmem:v3+s6+$0x0], $0xffff  }
0x54: {  	s15 =	simm.s32 $0x820;
	v3 =	vld.idx.msk [tilespmem:v4+s6+$0x0], $0xffff  }
0x55: {  	s16 =	simm.s32 $0x40;
	s17 =	simm.s32 $0x4A0;
	v4 =	vld.idx.msk [tilespmem:v7+s6+$0x0], $0xffff;
	[tilespmem:s15+$0x10] =	vst v8  }
.LBB2_3:
0x56: {  	v7 =	vld [tilespmem:s17+$0x10];
	s16 =	sadd.s32 $0x40, s16  }
0x57: {  	v8 =	vld [tilespmem:s17+$0xFFFFFFF0];
	p1 =	slt.u32 s16, $0x3C0;
	[tilespmem:s15+$0xFFFFFFE0] =	vst v5  }
0x58: {  	v9 =	vld [tilespmem:s17+$0x0];
	[tilespmem:s15+$0xFFFFFFF0] =	vst v2  }
0x59: {  	v10 =	vld [tilespmem:s17+$0xFFFFFFE0];
	[tilespmem:s15+$0x0] =	vst v3  }
.Ltmp5:
0x5a: {  	s15 =	sadd.s32 $0x40, s15;
	v5 =	vld.idx.msk [tilespmem:v6+s6+$0x0], $0xffff;
	(pc) =	sbr.rel @p1 .LBB2_3-.Ltmp5, $4  }
0x5b: {  	v2 =	vld.idx.msk [tilespmem:v1+s6+$0x0], $0xffff;
	[tilespmem:s15+$0x10] =	vst v4  }
0x5c: {  	v3 =	vld.idx.msk [tilespmem:v0+s6+$0x0], $0xffff;
	v1 =	vmov v8  }
0x5d: {  	v0 =	vmov v9  }
0x5e: {  	s17 =	sadd.s32 $0x40, s17;
	v4 =	vld.idx.msk [tilespmem:v7+s6+$0x0], $0xffff;
	v6 =	vmov v10  }
0x5f: {  	_ =	sdelay $0x3  }
0x60: {  	v6 =	vld.idx.msk [tilespmem:v6+s6+$0x0], $0xffff  }
0x61: {  	[tilespmem:s15+$0xFFFFFFE0] =	vst v5;
	v1 =	vld.idx.msk [tilespmem:v1+s6+$0x0], $0xffff  }
0x62: {  	v0 =	vld.idx.msk [tilespmem:v0+s6+$0x0], $0xffff;
	[tilespmem:s15+$0xFFFFFFF0] =	vst v2  }
.Ltmp6:
0x63: {  	s31 =	sadd.s32 $0x40, s15;
	[tilespmem:s15+$0x0] =	vst v3;
	(pc) =	sbr.rel .LBB2_8-.Ltmp6, $4  }
0x64: {  	[tilespmem:s31+$0x10] =	vst v4  }
0x65: {  	[tilespmem:s31+$0xFFFFFFE0] =	vst v6  }
0x66: {  	[tilespmem:s31+$0xFFFFFFF0] =	vst v1  }
0x67: {  	s15 =	smov.u32 s3;
	[tilespmem:s31+$0x0] =	vst v0  }
.LBB2_9:
0x68: {  	_ =	sfence.sel $0x180000  }
0x69: {  	[bflag:$0x0] =	sbarrier.arrive $0xFFFF  }
0x6a: {  	p0 =	sne.s32 s5, $0x0;
	_ =	strace $0x90000047  }
0x6b: {  	s0 =	sadd.s32 @!p0 $0x100000, s0;
	[bflag:$0x2] =	sbarrier.arrive $0xFFFF  }
0x6c: {  	[sflag:s0] =	ssyncadd.tile.s32 @!p0 $0x1;
	_ =	shalt  }
.Lfunc_end2:
_tile_overlayer_lowered:
.L_overlay_start_2:
0x6d: {  	(tag) =	ssettag $0x2  }
0x6e: {  	s0 =	rddreg [dreg:$0x0];
	s2 =	stileid.u32  }
0x6f: {  	s1 =	rddreg [dreg:$0x1];
	p0 =	sne.s32 s2, $0x0  }
0x70: {  	s3 =	rddreg [dreg:$0x2];
	[bflag:$0x3] =	sbarrier.arrive $0xFFFF;
	s2 =	simm.s32 @!p0 $0x1C03  }
0x71: {  	[timem:s3], [sflag:s2] =	dma.local @!p0 [hbm:s0], s1  }
0x72: {  	s0 =	simm.s32 @!p0 $0x3  }
0x73: {  	_ =	swait.ge @!p0 [sflag:s0], s1  }
0x74: {  	s1 =	ssub.s32 @!p0 $0x0, s1;
	[sflag:s0] =	ssyncset.done @!p0 $0x0  }
0x75: {  	[sflag:s0] =	ssyncadd.s32 @!p0 s1  }
0x76: {  	[bflag:$0x3] =	sbarrier.arrive $0xFFFF  }
0x77: {  	_ =	shalt  }

</sc_bundles>
